<compile_context>
chip_gen: v7x
topology: tpu7x:2x2x1
jax: 0.10.2.dev20260603
libtpu: 0.0.44.dev20260713+nightly
codegen_flags: <defaults>
</compile_context>

<pallas_src>
import functools

import jax
import jax.numpy as jnp
from jax import lax
from jax.experimental import pallas as pl
from jax.experimental.pallas import tpu as pltpu
from jax.experimental.pallas import tpu_sc as plsc

N = 10000
E = 320000
D = 128
OUT = 16
L = 4
BN_EPS = 1e-5

NC = 2
NS = 16
NW = NC * NS

CHUNK = 80
N_CHUNKS = E // NW // CHUNK
N_AGG = N

RCHUNK = 16
NRC = N // RCHUNK
NRZ = NRC


def _seg_sum_body(src_hbm, dst_hbm, h_hbm, out_hbm,
                  src_v, dst_v, rows_a, rows_b, zero_v,
                  agg_sh, sem_a, sem_b, sem_sa, sem_sb):
    c = lax.axis_index("c")
    s = lax.axis_index("s")
    wid = c * NS + s

    cp_src = pltpu.async_copy(
        src_hbm.at[pl.ds(wid * N_CHUNKS * CHUNK, N_CHUNKS * CHUNK)],
        src_v, sem_a)
    cp_dst = pltpu.async_copy(dst_hbm.at[wid], dst_v, sem_b)

    @pl.loop(0, RCHUNK * D // 16)
    def _zero_vmem(i):
        r = i // (D // 16)
        k = i % (D // 16)
        zero_v[r, pl.ds(k * 16, 16)] = jnp.zeros((16,), jnp.float32)

    @pl.loop(0, (NRZ + NS - 1) // NS)
    def _zero_sh(j):
        ch = s + j * NS
        @pl.when(ch < NRZ)
        def _():
            pltpu.sync_copy(zero_v, agg_sh.at[pl.ds(ch * RCHUNK, RCHUNK)])

    cp_src.wait()
    cp_dst.wait()
    plsc.subcore_barrier()

    def _src_idx(j):
        return src_v.at[pl.ds(j * CHUNK, CHUNK)]

    pltpu.async_copy(h_hbm.at[_src_idx(0)], rows_a, sem_a)

    @pl.loop(0, N_CHUNKS)
    def _edges(j):
        even = j % 2 == 0

        @pl.when(even)
        def _():
            @pl.when(j >= 1)
            def _():
                pltpu.make_async_copy(rows_b, agg_sh.at[dst_v.at[j]],
                                      sem_sb).wait()
            @pl.when(j + 1 < N_CHUNKS)
            def _():
                pltpu.async_copy(h_hbm.at[_src_idx(j + 1)], rows_b, sem_b)
            pltpu.make_async_copy(h_hbm.at[_src_idx(j)], rows_a, sem_a).wait()
            pltpu.async_copy(rows_a, agg_sh.at[dst_v.at[j]], sem_sa, add=True)

        @pl.when(jnp.logical_not(even))
        def _():
            @pl.when(j >= 1)
            def _():
                pltpu.make_async_copy(rows_a, agg_sh.at[dst_v.at[j]],
                                      sem_sa).wait()
            @pl.when(j + 1 < N_CHUNKS)
            def _():
                pltpu.async_copy(h_hbm.at[_src_idx(j + 1)], rows_a, sem_a)
            pltpu.make_async_copy(h_hbm.at[_src_idx(j)], rows_b, sem_b).wait()
            pltpu.async_copy(rows_b, agg_sh.at[dst_v.at[j]], sem_sb, add=True)

    _lastbuf = rows_a if (N_CHUNKS - 1) % 2 == 0 else rows_b
    _lastsem = sem_sa if (N_CHUNKS - 1) % 2 == 0 else sem_sb
    pltpu.make_async_copy(_lastbuf, agg_sh.at[dst_v.at[N_CHUNKS - 1]],
                          _lastsem).wait()

    plsc.subcore_barrier()

    @pl.loop(0, (NRC + NS - 1) // NS)
    def _copy_out(j):
        ch = s + j * NS
        @pl.when(ch < NRC)
        def _():
            pltpu.sync_copy(agg_sh.at[pl.ds(ch * RCHUNK, RCHUNK)],
                            out_hbm.at[c].at[pl.ds(ch * RCHUNK, RCHUNK)])


@jax.jit
def _seg_sum(h, src, dst):
    mesh = plsc.VectorSubcoreMesh(core_axis_name="c", subcore_axis_name="s",
                                  num_cores=NC, num_subcores=NS)
    return pl.kernel(
        _seg_sum_body,
        out_type=jax.ShapeDtypeStruct((NC, N, D), jnp.float32),
        mesh=mesh,
        scratch_types=[
            pltpu.VMEM((N_CHUNKS * CHUNK,), jnp.int32),
            pltpu.VMEM((N_CHUNKS, CHUNK), jnp.int32),
            pltpu.VMEM((CHUNK, D), jnp.float32),
            pltpu.VMEM((CHUNK, D), jnp.float32),
            pltpu.VMEM((RCHUNK, D), jnp.float32),
            pltpu.VMEM_SHARED((N_AGG, D), jnp.float32),
            pltpu.SemaphoreType.DMA,
            pltpu.SemaphoreType.DMA,
            pltpu.SemaphoreType.DMA,
            pltpu.SemaphoreType.DMA,
        ],
    )(src, dst, h)


def _dense_body(h_ref, p0_ref, p1_ref, w1_ref, g1_ref, b1_ref,
                w2_ref, g2_ref, b2_ref, h_out_ref, pooled_ref):
    r = h_ref[...] + p0_ref[...] + p1_ref[...]
    y = lax.dot_general(r, w1_ref[...], (((1,), (1,)), ((), ())),
                        preferred_element_type=jnp.float32)
    mean = jnp.mean(y, axis=0, keepdims=True)
    var = jnp.mean(jnp.square(y - mean), axis=0, keepdims=True)
    y = (y - mean) * lax.rsqrt(var + BN_EPS) * g1_ref[...] + b1_ref[...]
    y = jnp.maximum(y, 0.0)
    z = lax.dot_general(y, w2_ref[...], (((1,), (1,)), ((), ())),
                        preferred_element_type=jnp.float32)
    mean2 = jnp.mean(z, axis=0, keepdims=True)
    var2 = jnp.mean(jnp.square(z - mean2), axis=0, keepdims=True)
    z = (z - mean2) * lax.rsqrt(var2 + BN_EPS) * g2_ref[...] + b2_ref[...]
    hn = jnp.maximum(z, 0.0)
    h_out_ref[...] = hn
    pooled_ref[...] = jnp.sum(hn, axis=0, keepdims=True)


@jax.jit
def _dense_layer(h, partials, w1, g1, b1, w2, g2, b2):
    return pl.pallas_call(
        _dense_body,
        out_shape=(
            jax.ShapeDtypeStruct((N, D), jnp.float32),
            jax.ShapeDtypeStruct((1, D), jnp.float32),
        ),
    )(h, partials[0], partials[1], w1, g1.reshape(1, D), b1.reshape(1, D),
      w2, g2.reshape(1, D), b2.reshape(1, D))


def _pred_body(x_ref, p_ref, w_ref, b_ref, out_ref):
    pooled0 = jnp.sum(x_ref[...], axis=0, keepdims=True)
    pall = jnp.concatenate([pooled0, p_ref[...]], axis=0)
    per_layer = lax.dot_general(w_ref[...], pall,
                                (((2,), (1,)), ((0,), (0,))),
                                preferred_element_type=jnp.float32)
    out_ref[...] = (jnp.sum(per_layer, axis=0) +
                    jnp.sum(b_ref[...], axis=0)).reshape(1, OUT)


@jax.jit
def _final_pred(x, pooled, pred_w, pred_b):
    return pl.pallas_call(
        _pred_body,
        out_shape=jax.ShapeDtypeStruct((1, OUT), jnp.float32),
    )(x, pooled, pred_w, pred_b)


def kernel(x, edge_index, mlp_w1, mlp_bn_gamma, mlp_bn_beta, mlp_w2,
           bn_gamma, bn_beta, pred_w, pred_b):
    src = edge_index[0]
    dst = edge_index[1].reshape(NW, N_CHUNKS, CHUNK)
    h = x
    pooled_list = []
    for i in range(L):
        partials = _seg_sum(h, src, dst)
        h, pooled = _dense_layer(h, partials, mlp_w1[i], mlp_bn_gamma[i],
                                 mlp_bn_beta[i], mlp_w2[i], bn_gamma[i],
                                 bn_beta[i])
        pooled_list.append(pooled)
    pooled_all = jnp.concatenate(pooled_list, axis=0)
    score = _final_pred(x, pooled_all, pred_w, pred_b)
    return score.reshape(OUT)

# --- scband reference (transcript-rebuilt; emitter-appended) ---
"""Pipeline reference for scband-gin-21045339750447 (READ-ONLY COPY).

The authoritative reference and input builder live on the scoring server;
editing this copy changes nothing except your own understanding.
"""

import jax, jax.numpy as jnp
import numpy as np

N = 10000
E = 320000
D = 128
OUT = 16
L = 4  # num GINConv layers (num_layers=5 -> 4 conv layers)
BN_EPS = 1e-5


def setup_inputs(seed: int = 0) -> dict:
    key = jax.random.key(seed)
    ks = jax.random.split(key, 10)
    x = jax.random.normal(ks[0], (N, D), dtype=jnp.float32)
    edge_index = jax.random.randint(ks[1], (2, E), 0, N, dtype=jnp.int32)
    mlp_w1 = jax.random.normal(ks[2], (L, D, D), dtype=jnp.float32) * 0.05
    mlp_bn_gamma = jnp.ones((L, D), dtype=jnp.float32)
    mlp_bn_beta = jnp.zeros((L, D), dtype=jnp.float32)
    mlp_w2 = jax.random.normal(ks[3], (L, D, D), dtype=jnp.float32) * 0.05
    bn_gamma = jnp.ones((L, D), dtype=jnp.float32)
    bn_beta = jnp.zeros((L, D), dtype=jnp.float32)
    pred_w = jax.random.normal(ks[4], (L + 1, OUT, D), dtype=jnp.float32) * 0.05
    pred_b = jnp.zeros((L + 1, OUT), dtype=jnp.float32)
    return {
        "x": x,
        "edge_index": edge_index,
        "mlp_w1": mlp_w1,
        "mlp_bn_gamma": mlp_bn_gamma,
        "mlp_bn_beta": mlp_bn_beta,
        "mlp_w2": mlp_w2,
        "bn_gamma": bn_gamma,
        "bn_beta": bn_beta,
        "pred_w": pred_w,
        "pred_b": pred_b,
    }


def _batch_norm(h, gamma, beta):
    mean = jnp.mean(h, axis=0, keepdims=True)
    var = jnp.var(h, axis=0, keepdims=True)
    return (h - mean) / jnp.sqrt(var + BN_EPS) * gamma + beta


def reference(x, edge_index, mlp_w1, mlp_bn_gamma, mlp_bn_beta, mlp_w2,
              bn_gamma, bn_beta, pred_w, pred_b):
    src = edge_index[0]
    dst = edge_index[1]
    h = x
    hidden_rep = [h]
    for i in range(L):
        # GINConv with sum aggregation, eps = 0 (learn_eps=False)
        agg = jax.ops.segment_sum(h[src], dst, num_segments=N)
        r = h + agg
        # MLP: linear(no bias) -> BN -> relu -> linear(no bias)
        r = r @ mlp_w1[i].T
        r = jax.nn.relu(_batch_norm(r, mlp_bn_gamma[i], mlp_bn_beta[i]))
        r = r @ mlp_w2[i].T
        # outer batch_norm + relu
        h = jax.nn.relu(_batch_norm(r, bn_gamma[i], bn_beta[i]))
        hidden_rep.append(h)
    score_over_layer = jnp.zeros((1, OUT), dtype=jnp.float32)
    for i, hh in enumerate(hidden_rep):
        pooled = jnp.sum(hh, axis=0, keepdims=True)  # SumPooling over one graph
        # dropout is identity in eval mode
        score_over_layer = score_over_layer + pooled @ pred_w[i].T + pred_b[i]
    return score_over_layer.reshape(OUT)

if __name__ == "__main__":
    import jax
    _d = setup_inputs()
    print(jax.jit(kernel)(*tuple(_d.values())))

</pallas_src>

<mosaic_0001>
#map = affine_map<(d0, d1) -> (0)>
#map1 = affine_map<(d0, d1) -> (0, 0, 0)>
#map2 = affine_map<(d0, d1) -> (0, 0)>
module attributes {stable_mosaic.version = 14 : i64} {
  func.func @_seg_sum_body(%arg0: i32, %arg1: i32, %arg2: memref<320000xi32, #tpu.memory_space<hbm>>, %arg3: memref<32x125x80xi32, #tpu.memory_space<hbm>>, %arg4: memref<10000x128xf32, #tpu.memory_space<hbm>>, %arg5: memref<2x10000x128xf32, #tpu.memory_space<hbm>>, %arg6: memref<10000xi32, #tpu.memory_space<vmem>>, %arg7: memref<125x80xi32, #tpu.memory_space<vmem>>, %arg8: memref<80x128xf32, #tpu.memory_space<vmem>>, %arg9: memref<80x128xf32, #tpu.memory_space<vmem>>, %arg10: memref<16x128xf32, #tpu.memory_space<vmem>>, %arg11: memref<10000x128xf32, #tpu.memory_space<vmem_shared>>, %arg12: memref<!tpu.dma_semaphore, #tpu.memory_space<semaphore_mem>>, %arg13: memref<!tpu.dma_semaphore, #tpu.memory_space<semaphore_mem>>, %arg14: memref<!tpu.dma_semaphore, #tpu.memory_space<semaphore_mem>>, %arg15: memref<!tpu.dma_semaphore, #tpu.memory_space<semaphore_mem>>) attributes {dimension_semantics = [#tpu.dimension_semantics<core_parallel>, #tpu.dimension_semantics<subcore_parallel>], iteration_bounds = array<i64: 2, 16>, scalar_prefetch = 0 : i64, scratch_operands = 10 : i64, tpu.core_type = #tpu.core_type<sc_vector_subcore>, window_params = [{transform_indices = #map}, {transform_indices = #map1}, {transform_indices = #map2}, {transform_indices = #map1}]} {
    %mul3A = arith.constant 16 : i32
    %mul3A_0 = arith.muli %arg0, %mul3A : i32
    %add3A = arith.addi %mul3A_0, %arg1 : i32
    %mul3A_1 = arith.constant 125 : i32
    %mul3A_2 = arith.muli %add3A, %mul3A_1 : i32
    %mul3A_3 = arith.constant 80 : i32
    %mul3A_4 = arith.muli %mul3A_2, %mul3A_3 : i32
    %dma_start3A = tpu.memref_slice %arg2[%mul3A_4] : memref<320000xi32, #tpu.memory_space<hbm>> -> memref<10000xi32, #tpu.memory_space<hbm>>
    %dma_start3A_5 = tpu.memref_slice %arg2[%mul3A_4] : memref<320000xi32, #tpu.memory_space<hbm>> -> memref<10000xi32, #tpu.memory_space<hbm>>
    tpu.enqueue_dma source(%dma_start3A_5 : memref<10000xi32, #tpu.memory_space<hbm>>) target(%arg6 : memref<10000xi32, #tpu.memory_space<vmem>>) target_semaphore(%arg12 : memref<!tpu.dma_semaphore, #tpu.memory_space<semaphore_mem>>)
    %dma_start3A_6 = arith.constant 0 : i32
    %dma_start3A_7 = arith.constant 0 : i32
    %dma_start3A_8 = tpu.memref_slice %arg3[%add3A, %dma_start3A_6, %dma_start3A_7] : memref<32x125x80xi32, #tpu.memory_space<hbm>> -> memref<1x125x80xi32, #tpu.memory_space<hbm>>
    %dma_start3A_9 = tpu.memref_squeeze %dma_start3A_8 : memref<1x125x80xi32, #tpu.memory_space<hbm>> -> memref<125x80xi32, #tpu.memory_space<hbm>>
    %dma_start3A_10 = arith.constant 0 : i32
    %dma_start3A_11 = arith.constant 0 : i32
    %dma_start3A_12 = tpu.memref_slice %arg3[%add3A, %dma_start3A_10, %dma_start3A_11] : memref<32x125x80xi32, #tpu.memory_space<hbm>> -> memref<1x125x80xi32, #tpu.memory_space<hbm>>
    %dma_start3A_13 = tpu.memref_squeeze %dma_start3A_12 : memref<1x125x80xi32, #tpu.memory_space<hbm>> -> memref<125x80xi32, #tpu.memory_space<hbm>>
    tpu.enqueue_dma source(%dma_start3A_13 : memref<125x80xi32, #tpu.memory_space<hbm>>) target(%arg7 : memref<125x80xi32, #tpu.memory_space<vmem>>) target_semaphore(%arg13 : memref<!tpu.dma_semaphore, #tpu.memory_space<semaphore_mem>>)
    %scan3A = arith.constant 0 : i32
    %scan3A_14 = arith.constant 128 : i32
    %scan3A_15 = arith.addi %scan3A, %scan3A_14 : i32
    %scan3A_16 = arith.constant 1 : i32
    scf.for %scan3A_55 = %scan3A to %scan3A_15 step %scan3A_16  : i32 {
      %mul3A_56 = arith.constant 1 : i32
      %mul3A_57 = arith.muli %scan3A_55, %mul3A_56 : i32
      %add3A_58 = arith.constant 0 : i32
      %add3A_59 = arith.addi %add3A_58, %mul3A_57 : i32
      %jit3A = arith.constant 8 : i32
      %div3A = arith.divsi %add3A_59, %jit3A : i32
      %sign3A = arith.constant 0 : i32
      %sign3A_60 = arith.cmpi sgt, %add3A_59, %sign3A : i32
      %sign3A_61 = arith.extui %sign3A_60 : i1 to i32
      %sign3A_62 = arith.constant 0 : i32
      %sign3A_63 = arith.cmpi slt, %add3A_59, %sign3A_62 : i32
      %sign3A_64 = arith.extui %sign3A_63 : i1 to i32
      %sign3A_65 = arith.subi %sign3A_61, %sign3A_64 : i32
      %sign3A_66 = arith.constant 0 : i32
      %sign3A_67 = arith.cmpi sgt, %jit3A, %sign3A_66 : i32
      %sign3A_68 = arith.extui %sign3A_67 : i1 to i32
      %sign3A_69 = arith.constant 0 : i32
      %sign3A_70 = arith.cmpi slt, %jit3A, %sign3A_69 : i32
      %sign3A_71 = arith.extui %sign3A_70 : i1 to i32
      %sign3A_72 = arith.subi %sign3A_68, %sign3A_71 : i32
      %ne3A = arith.cmpi ne, %sign3A_65, %sign3A_72 : i32
      %rem3A = arith.remsi %add3A_59, %jit3A : i32
      %ne3A_73 = arith.constant 0 : i32
      %ne3A_74 = arith.cmpi ne, %rem3A, %ne3A_73 : i32
      %and3A = arith.andi %ne3A, %ne3A_74 : i1
      %sub3A = arith.constant 1 : i32
      %sub3A_75 = arith.subi %div3A, %sub3A : i32
      %select_n3A = arith.select %and3A, %sub3A_75, %div3A : i32
      %jit3A_76 = arith.constant 8 : i32
      %eq3A = arith.constant 0 : i32
      %eq3A_77 = arith.cmpi eq, %jit3A_76, %eq3A : i32
      %jit3A_78 = arith.constant 1 : i32
      %select_n3A_79 = arith.select %eq3A_77, %jit3A_78, %jit3A_76 : i32
      %rem3A_80 = arith.remsi %add3A_59, %select_n3A_79 : i32
      %ne3A_81 = arith.constant 0 : i32
      %ne3A_82 = arith.cmpi ne, %rem3A_80, %ne3A_81 : i32
      %lt3A = arith.constant 0 : i32
      %lt3A_83 = arith.cmpi slt, %rem3A_80, %lt3A : i32
      %lt3A_84 = arith.constant 0 : i32
      %lt3A_85 = arith.cmpi slt, %select_n3A_79, %lt3A_84 : i32
      %ne3A_86 = arith.xori %lt3A_83, %lt3A_85 : i1
      %and3A_87 = arith.andi %ne3A_86, %ne3A_82 : i1
      %add3A_88 = arith.addi %rem3A_80, %select_n3A_79 : i32
      %select_n3A_89 = arith.select %and3A_87, %add3A_88, %rem3A_80 : i32
      %broadcast_in_dim3A = arith.constant 0.000000e+00 : f32
      %broadcast_in_dim3A_90 = vector.broadcast %broadcast_in_dim3A : f32 to vector<16xf32>
      %mul3A_91 = arith.constant 16 : i32
      %mul3A_92 = arith.muli %select_n3A_89, %mul3A_91 : i32
      %swap3A = arith.index_cast %select_n3A : i32 to index
      %swap3A_93 = arith.index_cast %mul3A_92 : i32 to index
      %swap3A_94 = tpu.vector_load %arg10[%swap3A, %swap3A_93] {strides = array<i32>} : memref<16x128xf32, #tpu.memory_space<vmem>>, vector<1x16xf32>,
      %swap3A_95 = vector.shape_cast %swap3A_94 : vector<1x16xf32> to vector<16xf32>
      %swap3A_96 = vector.shape_cast %broadcast_in_dim3A_90 : vector<16xf32> to vector<1x16xf32>
      tpu.vector_store %arg10[%swap3A, %swap3A_93], %swap3A_96 {strides = array<i32>} : memref<16x128xf32, #tpu.memory_space<vmem>>, vector<1x16xf32>,
    }
    %scan3A_17 = arith.constant 128 : i32
    %scan3A_18 = arith.constant 0 : i32
    %scan3A_19 = arith.constant 40 : i32
    %scan3A_20 = arith.addi %scan3A_18, %scan3A_19 : i32
    %scan3A_21 = arith.constant 1 : i32
    scf.for %scan3A_55 = %scan3A_18 to %scan3A_20 step %scan3A_21  : i32 {
      %mul3A_56 = arith.constant 1 : i32
      %mul3A_57 = arith.muli %scan3A_55, %mul3A_56 : i32
      %add3A_58 = arith.constant 0 : i32
      %add3A_59 = arith.addi %add3A_58, %mul3A_57 : i32
      %mul3A_60 = arith.constant 16 : i32
      %mul3A_61 = arith.muli %add3A_59, %mul3A_60 : i32
      %add3A_62 = arith.addi %arg1, %mul3A_61 : i32
      %lt3A = arith.constant 625 : i32
      %lt3A_63 = arith.cmpi slt, %add3A_62, %lt3A : i32
      %convert_element_type3A = arith.extui %lt3A_63 : i1 to i32
      %cond3A = arith.constant 0 : i32
      %cond3A_64 = arith.cmpi ne, %convert_element_type3A, %cond3A : i32
      scf.if %cond3A_64 {
        %mul3A_65 = arith.constant 16 : i32
        %mul3A_66 = arith.muli %add3A_62, %mul3A_65 : i32
        "tpu.region"() ({
          %run_scoped3A = tpu.sem_alloc : memref<!tpu.dma_semaphore, #tpu.memory_space<semaphore_mem>>
          %dma_start3A_67 = arith.constant 0 : i32
          %dma_start3A_68 = tpu.memref_slice %arg11[%mul3A_66, %dma_start3A_67] : memref<10000x128xf32, #tpu.memory_space<vmem_shared>> -> memref<16x128xf32, #tpu.memory_space<vmem_shared>>
          %dma_start3A_69 = arith.constant 0 : i32
          %dma_start3A_70 = tpu.memref_slice %arg11[%mul3A_66, %dma_start3A_69] : memref<10000x128xf32, #tpu.memory_space<vmem_shared>> -> memref<16x128xf32, #tpu.memory_space<vmem_shared>>
          tpu.enqueue_dma source(%arg10 : memref<16x128xf32, #tpu.memory_space<vmem>>) target(%dma_start3A_70 : memref<16x128xf32, #tpu.memory_space<vmem_shared>>) target_semaphore(%run_scoped3A : memref<!tpu.dma_semaphore, #tpu.memory_space<semaphore_mem>>)
          %dma_wait3A_71 = arith.constant 0 : i32
          %dma_wait3A_72 = tpu.memref_slice %arg11[%mul3A_66, %dma_wait3A_71] : memref<10000x128xf32, #tpu.memory_space<vmem_shared>> -> memref<16x128xf32, #tpu.memory_space<vmem_shared>>
          %dma_wait3A_73 = arith.constant 0 : i32
          %dma_wait3A_74 = tpu.memref_slice %arg11[%mul3A_66, %dma_wait3A_73] : memref<10000x128xf32, #tpu.memory_space<vmem_shared>> -> memref<16x128xf32, #tpu.memory_space<vmem_shared>>
          tpu.wait_dma2 semaphore(%run_scoped3A : memref<!tpu.dma_semaphore, #tpu.memory_space<semaphore_mem>>) src(%arg10 : memref<16x128xf32, #tpu.memory_space<vmem>>) dst(%dma_wait3A_74 : memref<16x128xf32, #tpu.memory_space<vmem_shared>>)
          tpu.yield
        }) : () -> ()
      } else {
      }
    }
    %scan3A_22 = arith.constant 40 : i32
    %dma_wait3A = tpu.memref_slice %arg2[%mul3A_4] : memref<320000xi32, #tpu.memory_space<hbm>> -> memref<10000xi32, #tpu.memory_space<hbm>>
    %dma_wait3A_23 = tpu.memref_slice %arg2[%mul3A_4] : memref<320000xi32, #tpu.memory_space<hbm>> -> memref<10000xi32, #tpu.memory_space<hbm>>
    tpu.wait_dma2 semaphore(%arg12 : memref<!tpu.dma_semaphore, #tpu.memory_space<semaphore_mem>>) src(%dma_wait3A_23 : memref<10000xi32, #tpu.memory_space<hbm>>) dst(%arg6 : memref<10000xi32, #tpu.memory_space<vmem>>)
    %dma_wait3A_24 = arith.constant 0 : i32
    %dma_wait3A_25 = arith.constant 0 : i32
    %dma_wait3A_26 = tpu.memref_slice %arg3[%add3A, %dma_wait3A_24, %dma_wait3A_25] : memref<32x125x80xi32, #tpu.memory_space<hbm>> -> memref<1x125x80xi32, #tpu.memory_space<hbm>>
    %dma_wait3A_27 = tpu.memref_squeeze %dma_wait3A_26 : memref<1x125x80xi32, #tpu.memory_space<hbm>> -> memref<125x80xi32, #tpu.memory_space<hbm>>
    %dma_wait3A_28 = arith.constant 0 : i32
    %dma_wait3A_29 = arith.constant 0 : i32
    %dma_wait3A_30 = tpu.memref_slice %arg3[%add3A, %dma_wait3A_28, %dma_wait3A_29] : memref<32x125x80xi32, #tpu.memory_space<hbm>> -> memref<1x125x80xi32, #tpu.memory_space<hbm>>
    %dma_wait3A_31 = tpu.memref_squeeze %dma_wait3A_30 : memref<1x125x80xi32, #tpu.memory_space<hbm>> -> memref<125x80xi32, #tpu.memory_space<hbm>>
    tpu.wait_dma2 semaphore(%arg13 : memref<!tpu.dma_semaphore, #tpu.memory_space<semaphore_mem>>) src(%dma_wait3A_31 : memref<125x80xi32, #tpu.memory_space<hbm>>) dst(%arg7 : memref<125x80xi32, #tpu.memory_space<vmem>>)
    %barrier3A = arith.constant 0 : index
    tpu.barrier barrier_id(%barrier3A)
    %dma_start3A_32 = arith.constant 0 : i32
    %dma_start3A_33 = tpu.memref_slice %arg6[%dma_start3A_32] : memref<10000xi32, #tpu.memory_space<vmem>> -> memref<80xi32, #tpu.memory_space<vmem>>
    %dma_start3A_34 = arith.constant 0 : i32
    %dma_start3A_35 = arith.constant 0 : i32
    %dma_start3A_36 = tpu.memref_slice %arg4[%dma_start3A_34, %dma_start3A_35] : memref<10000x128xf32, #tpu.memory_space<hbm>> -> memref<10000x128xf32, #tpu.memory_space<hbm>>
    tpu.enqueue_indirect_dma source(%dma_start3A_36 : memref<10000x128xf32, #tpu.memory_space<hbm>>) target(%arg8 : memref<80x128xf32, #tpu.memory_space<vmem>>) offsets(%dma_start3A_33 : memref<80xi32, #tpu.memory_space<vmem>>) semaphore(%arg12 : memref<!tpu.dma_semaphore, #tpu.memory_space<semaphore_mem>>)
    %scan3A_37 = arith.constant 0 : i32
    %scan3A_38 = arith.constant 125 : i32
    %scan3A_39 = arith.addi %scan3A_37, %scan3A_38 : i32
    %scan3A_40 = arith.constant 1 : i32
    scf.for %scan3A_55 = %scan3A_37 to %scan3A_39 step %scan3A_40  : i32 {
      %mul3A_56 = arith.constant 1 : i32
      %mul3A_57 = arith.muli %scan3A_55, %mul3A_56 : i32
      %add3A_58 = arith.constant 0 : i32
      %add3A_59 = arith.addi %add3A_58, %mul3A_57 : i32
      %jit3A = arith.constant 2 : i32
      %eq3A = arith.constant 0 : i32
      %eq3A_60 = arith.cmpi eq, %jit3A, %eq3A : i32
      %jit3A_61 = arith.constant 1 : i32
      %select_n3A = arith.select %eq3A_60, %jit3A_61, %jit3A : i32
      %rem3A = arith.remsi %add3A_59, %select_n3A : i32
      %ne3A = arith.constant 0 : i32
      %ne3A_62 = arith.cmpi ne, %rem3A, %ne3A : i32
      %lt3A = arith.constant 0 : i32
      %lt3A_63 = arith.cmpi slt, %rem3A, %lt3A : i32
      %lt3A_64 = arith.constant 0 : i32
      %lt3A_65 = arith.cmpi slt, %select_n3A, %lt3A_64 : i32
      %ne3A_66 = arith.xori %lt3A_63, %lt3A_65 : i1
      %and3A = arith.andi %ne3A_66, %ne3A_62 : i1
      %add3A_67 = arith.addi %rem3A, %select_n3A : i32
      %select_n3A_68 = arith.select %and3A, %add3A_67, %rem3A : i32
      %eq3A_69 = arith.constant 0 : i32
      %eq3A_70 = arith.cmpi eq, %select_n3A_68, %eq3A_69 : i32
      %convert_element_type3A = arith.extui %eq3A_70 : i1 to i32
      %cond3A = arith.constant 0 : i32
      %cond3A_71 = arith.cmpi ne, %convert_element_type3A, %cond3A : i32
      scf.if %cond3A_71 {
        %ge3A = arith.constant 1 : i32
        %ge3A_76 = arith.cmpi sge, %add3A_59, %ge3A : i32
        %convert_element_type3A_77 = arith.extui %ge3A_76 : i1 to i32
        %cond3A_78 = arith.constant 0 : i32
        %cond3A_79 = arith.cmpi ne, %convert_element_type3A_77, %cond3A_78 : i32
        scf.if %cond3A_79 {
          %dma_wait3A_99 = arith.constant 0 : i32
          %dma_wait3A_100 = tpu.memref_slice %arg7[%add3A_59, %dma_wait3A_99] : memref<125x80xi32, #tpu.memory_space<vmem>> -> memref<1x80xi32, #tpu.memory_space<vmem>>
          %dma_wait3A_101 = tpu.memref_squeeze %dma_wait3A_100 : memref<1x80xi32, #tpu.memory_space<vmem>> -> memref<80xi32, #tpu.memory_space<vmem>>
          %dma_wait3A_102 = arith.constant 0 : i32
          %dma_wait3A_103 = arith.constant 0 : i32
          %dma_wait3A_104 = tpu.memref_slice %arg11[%dma_wait3A_102, %dma_wait3A_103] : memref<10000x128xf32, #tpu.memory_space<vmem_shared>> -> memref<10000x128xf32, #tpu.memory_space<vmem_shared>>
          tpu.wait_indirect_dma semaphore(%arg15 : memref<!tpu.dma_semaphore, #tpu.memory_space<semaphore_mem>>) src(%arg9 : memref<80x128xf32, #tpu.memory_space<vmem>>) dst(%dma_wait3A_104 : memref<10000x128xf32, #tpu.memory_space<vmem_shared>>)
        } else {
        }
        %add3A_80 = arith.constant 1 : i32
        %add3A_81 = arith.addi %add3A_59, %add3A_80 : i32
        %lt3A_82 = arith.constant 125 : i32
        %lt3A_83 = arith.cmpi slt, %add3A_81, %lt3A_82 : i32
        %convert_element_type3A_84 = arith.extui %lt3A_83 : i1 to i32
        %cond3A_85 = arith.constant 0 : i32
        %cond3A_86 = arith.cmpi ne, %convert_element_type3A_84, %cond3A_85 : i32
        scf.if %cond3A_86 {
          %add3A_99 = arith.constant 1 : i32
          %add3A_100 = arith.addi %add3A_59, %add3A_99 : i32
          %mul3A_101 = arith.constant 80 : i32
          %mul3A_102 = arith.muli %add3A_100, %mul3A_101 : i32
          %dma_start3A_103 = tpu.memref_slice %arg6[%mul3A_102] : memref<10000xi32, #tpu.memory_space<vmem>> -> memref<80xi32, #tpu.memory_space<vmem>>
          %dma_start3A_104 = arith.constant 0 : i32
          %dma_start3A_105 = arith.constant 0 : i32
          %dma_start3A_106 = tpu.memref_slice %arg4[%dma_start3A_104, %dma_start3A_105] : memref<10000x128xf32, #tpu.memory_space<hbm>> -> memref<10000x128xf32, #tpu.memory_space<hbm>>
          tpu.enqueue_indirect_dma source(%dma_start3A_106 : memref<10000x128xf32, #tpu.memory_space<hbm>>) target(%arg9 : memref<80x128xf32, #tpu.memory_space<vmem>>) offsets(%dma_start3A_103 : memref<80xi32, #tpu.memory_space<vmem>>) semaphore(%arg13 : memref<!tpu.dma_semaphore, #tpu.memory_space<semaphore_mem>>)
        } else {
        }
        %mul3A_87 = arith.constant 80 : i32
        %mul3A_88 = arith.muli %add3A_59, %mul3A_87 : i32
        %dma_wait3A_89 = tpu.memref_slice %arg6[%mul3A_88] : memref<10000xi32, #tpu.memory_space<vmem>> -> memref<80xi32, #tpu.memory_space<vmem>>
        %dma_wait3A_90 = arith.constant 0 : i32
        %dma_wait3A_91 = arith.constant 0 : i32
        %dma_wait3A_92 = tpu.memref_slice %arg4[%dma_wait3A_90, %dma_wait3A_91] : memref<10000x128xf32, #tpu.memory_space<hbm>> -> memref<10000x128xf32, #tpu.memory_space<hbm>>
        tpu.wait_indirect_dma semaphore(%arg12 : memref<!tpu.dma_semaphore, #tpu.memory_space<semaphore_mem>>) src(%dma_wait3A_92 : memref<10000x128xf32, #tpu.memory_space<hbm>>) dst(%arg8 : memref<80x128xf32, #tpu.memory_space<vmem>>)
        %dma_start3A_93 = arith.constant 0 : i32
        %dma_start3A_94 = tpu.memref_slice %arg7[%add3A_59, %dma_start3A_93] : memref<125x80xi32, #tpu.memory_space<vmem>> -> memref<1x80xi32, #tpu.memory_space<vmem>>
        %dma_start3A_95 = tpu.memref_squeeze %dma_start3A_94 : memref<1x80xi32, #tpu.memory_space<vmem>> -> memref<80xi32, #tpu.memory_space<vmem>>
        %dma_start3A_96 = arith.constant 0 : i32
        %dma_start3A_97 = arith.constant 0 : i32
        %dma_start3A_98 = tpu.memref_slice %arg11[%dma_start3A_96, %dma_start3A_97] : memref<10000x128xf32, #tpu.memory_space<vmem_shared>> -> memref<10000x128xf32, #tpu.memory_space<vmem_shared>>
        tpu.enqueue_indirect_dma source(%arg8 : memref<80x128xf32, #tpu.memory_space<vmem>>) target(%dma_start3A_98 : memref<10000x128xf32, #tpu.memory_space<vmem_shared>>) offsets(%dma_start3A_95 : memref<80xi32, #tpu.memory_space<vmem>>) semaphore(%arg14 : memref<!tpu.dma_semaphore, #tpu.memory_space<semaphore_mem>>) {add = true}
      } else {
      }
      %not3A = arith.constant true
      %not3A_72 = arith.xori %eq3A_70, %not3A : i1
      %convert_element_type3A_73 = arith.extui %not3A_72 : i1 to i32
      %cond3A_74 = arith.constant 0 : i32
      %cond3A_75 = arith.cmpi ne, %convert_element_type3A_73, %cond3A_74 : i32
      scf.if %cond3A_75 {
        %ge3A = arith.constant 1 : i32
        %ge3A_76 = arith.cmpi sge, %add3A_59, %ge3A : i32
        %convert_element_type3A_77 = arith.extui %ge3A_76 : i1 to i32
        %cond3A_78 = arith.constant 0 : i32
        %cond3A_79 = arith.cmpi ne, %convert_element_type3A_77, %cond3A_78 : i32
        scf.if %cond3A_79 {
          %dma_wait3A_99 = arith.constant 0 : i32
          %dma_wait3A_100 = tpu.memref_slice %arg7[%add3A_59, %dma_wait3A_99] : memref<125x80xi32, #tpu.memory_space<vmem>> -> memref<1x80xi32, #tpu.memory_space<vmem>>
          %dma_wait3A_101 = tpu.memref_squeeze %dma_wait3A_100 : memref<1x80xi32, #tpu.memory_space<vmem>> -> memref<80xi32, #tpu.memory_space<vmem>>
          %dma_wait3A_102 = arith.constant 0 : i32
          %dma_wait3A_103 = arith.constant 0 : i32
          %dma_wait3A_104 = tpu.memref_slice %arg11[%dma_wait3A_102, %dma_wait3A_103] : memref<10000x128xf32, #tpu.memory_space<vmem_shared>> -> memref<10000x128xf32, #tpu.memory_space<vmem_shared>>
          tpu.wait_indirect_dma semaphore(%arg14 : memref<!tpu.dma_semaphore, #tpu.memory_space<semaphore_mem>>) src(%arg8 : memref<80x128xf32, #tpu.memory_space<vmem>>) dst(%dma_wait3A_104 : memref<10000x128xf32, #tpu.memory_space<vmem_shared>>)
        } else {
        }
        %add3A_80 = arith.constant 1 : i32
        %add3A_81 = arith.addi %add3A_59, %add3A_80 : i32
        %lt3A_82 = arith.constant 125 : i32
        %lt3A_83 = arith.cmpi slt, %add3A_81, %lt3A_82 : i32
        %convert_element_type3A_84 = arith.extui %lt3A_83 : i1 to i32
        %cond3A_85 = arith.constant 0 : i32
        %cond3A_86 = arith.cmpi ne, %convert_element_type3A_84, %cond3A_85 : i32
        scf.if %cond3A_86 {
          %add3A_99 = arith.constant 1 : i32
          %add3A_100 = arith.addi %add3A_59, %add3A_99 : i32
          %mul3A_101 = arith.constant 80 : i32
          %mul3A_102 = arith.muli %add3A_100, %mul3A_101 : i32
          %dma_start3A_103 = tpu.memref_slice %arg6[%mul3A_102] : memref<10000xi32, #tpu.memory_space<vmem>> -> memref<80xi32, #tpu.memory_space<vmem>>
          %dma_start3A_104 = arith.constant 0 : i32
          %dma_start3A_105 = arith.constant 0 : i32
          %dma_start3A_106 = tpu.memref_slice %arg4[%dma_start3A_104, %dma_start3A_105] : memref<10000x128xf32, #tpu.memory_space<hbm>> -> memref<10000x128xf32, #tpu.memory_space<hbm>>
          tpu.enqueue_indirect_dma source(%dma_start3A_106 : memref<10000x128xf32, #tpu.memory_space<hbm>>) target(%arg8 : memref<80x128xf32, #tpu.memory_space<vmem>>) offsets(%dma_start3A_103 : memref<80xi32, #tpu.memory_space<vmem>>) semaphore(%arg12 : memref<!tpu.dma_semaphore, #tpu.memory_space<semaphore_mem>>)
        } else {
        }
        %mul3A_87 = arith.constant 80 : i32
        %mul3A_88 = arith.muli %add3A_59, %mul3A_87 : i32
        %dma_wait3A_89 = tpu.memref_slice %arg6[%mul3A_88] : memref<10000xi32, #tpu.memory_space<vmem>> -> memref<80xi32, #tpu.memory_space<vmem>>
        %dma_wait3A_90 = arith.constant 0 : i32
        %dma_wait3A_91 = arith.constant 0 : i32
        %dma_wait3A_92 = tpu.memref_slice %arg4[%dma_wait3A_90, %dma_wait3A_91] : memref<10000x128xf32, #tpu.memory_space<hbm>> -> memref<10000x128xf32, #tpu.memory_space<hbm>>
        tpu.wait_indirect_dma semaphore(%arg13 : memref<!tpu.dma_semaphore, #tpu.memory_space<semaphore_mem>>) src(%dma_wait3A_92 : memref<10000x128xf32, #tpu.memory_space<hbm>>) dst(%arg9 : memref<80x128xf32, #tpu.memory_space<vmem>>)
        %dma_start3A_93 = arith.constant 0 : i32
        %dma_start3A_94 = tpu.memref_slice %arg7[%add3A_59, %dma_start3A_93] : memref<125x80xi32, #tpu.memory_space<vmem>> -> memref<1x80xi32, #tpu.memory_space<vmem>>
        %dma_start3A_95 = tpu.memref_squeeze %dma_start3A_94 : memref<1x80xi32, #tpu.memory_space<vmem>> -> memref<80xi32, #tpu.memory_space<vmem>>
        %dma_start3A_96 = arith.constant 0 : i32
        %dma_start3A_97 = arith.constant 0 : i32
        %dma_start3A_98 = tpu.memref_slice %arg11[%dma_start3A_96, %dma_start3A_97] : memref<10000x128xf32, #tpu.memory_space<vmem_shared>> -> memref<10000x128xf32, #tpu.memory_space<vmem_shared>>
        tpu.enqueue_indirect_dma source(%arg9 : memref<80x128xf32, #tpu.memory_space<vmem>>) target(%dma_start3A_98 : memref<10000x128xf32, #tpu.memory_space<vmem_shared>>) offsets(%dma_start3A_95 : memref<80xi32, #tpu.memory_space<vmem>>) semaphore(%arg15 : memref<!tpu.dma_semaphore, #tpu.memory_space<semaphore_mem>>) {add = true}
      } else {
      }
    }
    %scan3A_41 = arith.constant 125 : i32
    %dma_wait3A_42 = arith.constant 124 : i32
    %dma_wait3A_43 = arith.constant 0 : i32
    %dma_wait3A_44 = tpu.memref_slice %arg7[%dma_wait3A_42, %dma_wait3A_43] : memref<125x80xi32, #tpu.memory_space<vmem>> -> memref<1x80xi32, #tpu.memory_space<vmem>>
    %dma_wait3A_45 = tpu.memref_squeeze %dma_wait3A_44 : memref<1x80xi32, #tpu.memory_space<vmem>> -> memref<80xi32, #tpu.memory_space<vmem>>
    %dma_wait3A_46 = arith.constant 0 : i32
    %dma_wait3A_47 = arith.constant 0 : i32
    %dma_wait3A_48 = tpu.memref_slice %arg11[%dma_wait3A_46, %dma_wait3A_47] : memref<10000x128xf32, #tpu.memory_space<vmem_shared>> -> memref<10000x128xf32, #tpu.memory_space<vmem_shared>>
    tpu.wait_indirect_dma semaphore(%arg14 : memref<!tpu.dma_semaphore, #tpu.memory_space<semaphore_mem>>) src(%arg8 : memref<80x128xf32, #tpu.memory_space<vmem>>) dst(%dma_wait3A_48 : memref<10000x128xf32, #tpu.memory_space<vmem_shared>>)
    %barrier3A_49 = arith.constant 0 : index
    tpu.barrier barrier_id(%barrier3A_49)
    %scan3A_50 = arith.constant 0 : i32
    %scan3A_51 = arith.constant 40 : i32
    %scan3A_52 = arith.addi %scan3A_50, %scan3A_51 : i32
    %scan3A_53 = arith.constant 1 : i32
    scf.for %scan3A_55 = %scan3A_50 to %scan3A_52 step %scan3A_53  : i32 {
      %mul3A_56 = arith.constant 1 : i32
      %mul3A_57 = arith.muli %scan3A_55, %mul3A_56 : i32
      %add3A_58 = arith.constant 0 : i32
      %add3A_59 = arith.addi %add3A_58, %mul3A_57 : i32
      %mul3A_60 = arith.constant 16 : i32
      %mul3A_61 = arith.muli %add3A_59, %mul3A_60 : i32
      %add3A_62 = arith.addi %arg1, %mul3A_61 : i32
      %lt3A = arith.constant 625 : i32
      %lt3A_63 = arith.cmpi slt, %add3A_62, %lt3A : i32
      %convert_element_type3A = arith.extui %lt3A_63 : i1 to i32
      %cond3A = arith.constant 0 : i32
      %cond3A_64 = arith.cmpi ne, %convert_element_type3A, %cond3A : i32
      scf.if %cond3A_64 {
        %mul3A_65 = arith.constant 16 : i32
        %mul3A_66 = arith.muli %add3A_62, %mul3A_65 : i32
        %mul3A_67 = arith.constant 16 : i32
        %mul3A_68 = arith.muli %add3A_62, %mul3A_67 : i32
        "tpu.region"() ({
          %run_scoped3A = tpu.sem_alloc : memref<!tpu.dma_semaphore, #tpu.memory_space<semaphore_mem>>
          %dma_start3A_69 = arith.constant 0 : i32
          %dma_start3A_70 = arith.constant 0 : i32
          %dma_start3A_71 = tpu.memref_slice %arg5[%arg0, %dma_start3A_69, %dma_start3A_70] : memref<2x10000x128xf32, #tpu.memory_space<hbm>> -> memref<1x10000x128xf32, #tpu.memory_space<hbm>>
          %dma_start3A_72 = tpu.memref_squeeze %dma_start3A_71 : memref<1x10000x128xf32, #tpu.memory_space<hbm>> -> memref<10000x128xf32, #tpu.memory_space<hbm>>
          %dma_start3A_73 = arith.constant 0 : i32
          %dma_start3A_74 = tpu.memref_slice %dma_start3A_72[%mul3A_68, %dma_start3A_73] : memref<10000x128xf32, #tpu.memory_space<hbm>> -> memref<16x128xf32, #tpu.memory_space<hbm>>
          %dma_start3A_75 = arith.constant 0 : i32
          %dma_start3A_76 = tpu.memref_slice %arg11[%mul3A_66, %dma_start3A_75] : memref<10000x128xf32, #tpu.memory_space<vmem_shared>> -> memref<16x128xf32, #tpu.memory_space<vmem_shared>>
          tpu.enqueue_dma source(%dma_start3A_76 : memref<16x128xf32, #tpu.memory_space<vmem_shared>>) target(%dma_start3A_74 : memref<16x128xf32, #tpu.memory_space<hbm>>) target_semaphore(%run_scoped3A : memref<!tpu.dma_semaphore, #tpu.memory_space<semaphore_mem>>)
          %dma_wait3A_77 = arith.constant 0 : i32
          %dma_wait3A_78 = arith.constant 0 : i32
          %dma_wait3A_79 = tpu.memref_slice %arg5[%arg0, %dma_wait3A_77, %dma_wait3A_78] : memref<2x10000x128xf32, #tpu.memory_space<hbm>> -> memref<1x10000x128xf32, #tpu.memory_space<hbm>>
          %dma_wait3A_80 = tpu.memref_squeeze %dma_wait3A_79 : memref<1x10000x128xf32, #tpu.memory_space<hbm>> -> memref<10000x128xf32, #tpu.memory_space<hbm>>
          %dma_wait3A_81 = arith.constant 0 : i32
          %dma_wait3A_82 = tpu.memref_slice %dma_wait3A_80[%mul3A_68, %dma_wait3A_81] : memref<10000x128xf32, #tpu.memory_space<hbm>> -> memref<16x128xf32, #tpu.memory_space<hbm>>
          %dma_wait3A_83 = arith.constant 0 : i32
          %dma_wait3A_84 = tpu.memref_slice %arg11[%mul3A_66, %dma_wait3A_83] : memref<10000x128xf32, #tpu.memory_space<vmem_shared>> -> memref<16x128xf32, #tpu.memory_space<vmem_shared>>
          tpu.wait_dma2 semaphore(%run_scoped3A : memref<!tpu.dma_semaphore, #tpu.memory_space<semaphore_mem>>) src(%dma_wait3A_84 : memref<16x128xf32, #tpu.memory_space<vmem_shared>>) dst(%dma_wait3A_82 : memref<16x128xf32, #tpu.memory_space<hbm>>)
          tpu.yield
        }) : () -> ()
      } else {
      }
    }
    %scan3A_54 = arith.constant 40 : i32
    return
  }
}

</mosaic_0001>

<sc_bundles>
// kernel: _seg_sum.3.cloned.1.call-start
scs
__scs_entry_jumppad:
0x0: {  	(pc) =	sbr.rel $0x88, $3  }
0x1: {  	(tag) =	ssettag $0x0;
	lr =	simm.s32 $0x1  }
0x2: {  	[smem:$0x3F9E] =	sst lr;
	_ =	strace $0xD0000000  }
0x3: {  	_ = 	snop  }
0x4: {  	_ = 	snop  }
0x5: {  	_ = 	snop  }
0x6: {  	_ = 	snop  }
0x7: {  	_ = 	snop  }
__scs_overlays_trampoline_lowered:
0x8: {  	[smem:$0x3FAD] =	sst s0  }
0x9: {  	[smem:$0x3FAE] =	sst s1  }
0xa: {  	[smem:$0x3FAF] =	sst s2  }
0xb: {  	[smem:$0x3FB0] =	sst s3  }
0xc: {  	[smem:$0x3FB1] =	sst s4  }
0xd: {  	[smem:$0x3FB2] =	sst s5  }
0xe: {  	[smem:$0x3FB3] =	sst s6  }
0xf: {  	[smem:$0x3FB4] =	sst s7  }
0x10: {  	[smem:$0x3FB5] =	sst s8  }
0x11: {  	[smem:$0x3FB6] =	sst s9;
	s0 =	simm.s32 @!p0 $0x0  }
0x12: {  	s1 =	sld [smem:$0x3F9C];
	s0 =	simm.s32 @p0 $0x1  }
0x13: {  	[smem:$0x3FB7] =	sst s0;
	s0 =	simm.s32 @!p1 $0x0  }
0x14: {  	s2 =	sld [smem:$0x3F9B];
	s0 =	simm.s32 @p1 $0x1  }
0x15: {  	[smem:$0x3FB8] =	sst s0;
	s0 =	simm.s32 @!p2 $0x0  }
0x16: {  	s3 =	sld [smem:$0x3FDB];
	s0 =	simm.s32 @p2 $0x1  }
0x17: {  	s4 =	simm.s32 $0x1BF5;
	[smem:$0x3FBA] =	sst s0  }
0x18: {  	s0 =	sld [smem:$0x3F9D];
	_ =	swait.ge [sflag:s4], $0x0  }
0x19: {  	s7 =	sld [smem:$0x3F9E]  }
0x1a: {  	s8 =	sadd.s32 $0xFFFFE003, lr  }
0x1b: {  	s9 =	sadd.s32 $0xFFFFFEF7, lr;
	s5 =	simm.s32 $0xFFFFFFFF;
	p2 =	slt.u32 s8, $0xFFFFF086  }
0x1c: {  	p1 =	slt.u32 s9, $0xF7A;
	s5 =	simm.s32 @!p2 $0x0  }
0x1d: {  	s5 =	simm.s32 @p1 $0x1;
	p0 =	seq.s32 s7, s2  }
0x1e: {  	s7 =	smul.u32 @!p0 $0xF7A, s2;
	p2 =	seq.s32 @!p0 s5, $0x0  }
0x1f: {  	s9 =	smul.u32 $0xF7A, s1;
	s8 =	simm.s32 @!p0 $0x1BF5;
	p2 =	por !p2, p0  }
0x20: {  	[sflag:s8] =	ssyncset.s32 @!p0 $0xFFFFF086;
	s6 =	sadd.s32 @!p0 s3, s7;
	s7 =	simm.s32 @!p0 $0x108  }
0x21: {  	s3 =	sadd.s32 s3, s9;
	s6 =	sadd.s32 @!p0 $0x88, s6;
	s7 =	simm.s32 @p2 $0x1082  }
0x22: {  	[simem:s7], [sflag:s8] =	dma.local @!p0 [hbm:s6], $0xF7A  }
0x23: {  	s9 =	sor.u32 $0xD0000000, s2;
	s6 =	simm.s32 $0x108;
	_ =	swait.ge @!p0 [sflag:s8], $0x0  }
0x24: {  	s3 =	sadd.s32 $0x88, s3;
	s6 =	simm.s32 @!p1 $0x1082;
	[sflag:s4] =	ssyncset.s32 $0xFFFFF086  }
0x25: {  	[simem:s6], [sflag:s4] =	dma.local [hbm:s3], $0xF7A  }
0x26: {  	[smem:$0x3F9E] =	sst s1;
	(tag) =	ssettag s2;
	_ =	strace s9  }
0x27: {  	s1 =	sld [smem:$0x3FAE]  }
0x28: {  	s2 =	sld [smem:$0x3FAF]  }
0x29: {  	s4 =	sld [smem:$0x3FB1]  }
0x2a: {  	p0 =	seq.s32 s5, $0x0;
	s5 =	sld [smem:$0x3FB2]  }
0x2b: {  	s6 =	sld [smem:$0x3FB3]  }
0x2c: {  	s7 =	sld [smem:$0x3FB4]  }
0x2d: {  	s3 =	simm.s32 $0x108;
	s8 =	sld [smem:$0x3FB5]  }
0x2e: {  	s3 =	simm.s32 @!p0 $0x1082;
	s9 =	sld [smem:$0x3FB6]  }
0x2f: {  	lr =	sadd.s32 s0, s3;
	s0 =	sld [smem:$0x3FAD]  }
0x30: {  	s3 =	sld [smem:$0x3FB0]  }
0x31: {  	[smem:$0x3FB9] =	sst s10  }
0x32: {  	s10 =	sld [smem:$0x3FB7];
	_ =	sdelay $0x3  }
0x33: {  	p0 =	seq.s32 s10, $0x1;
	s10 =	sld [smem:$0x3FB9];
	_ =	sdelay $0x3  }
0x34: {  	[smem:$0x3FB9] =	sst s10  }
0x35: {  	s10 =	sld [smem:$0x3FB8];
	_ =	sdelay $0x3  }
0x36: {  	p1 =	seq.s32 s10, $0x1;
	s10 =	sld [smem:$0x3FB9];
	_ =	sdelay $0x3  }
0x37: {  	[smem:$0x3FB9] =	sst s10  }
0x38: {  	s10 =	sld [smem:$0x3FBA]  }
0x39: {  	_ = 	snop;
	(pc) =	sbr.ind lr, $3  }
0x3a: {  	_ = 	snop  }
0x3b: {  	_ = 	snop  }
0x3c: {  	p2 =	seq.s32 s10, $0x1;
	s10 =	sld [smem:$0x3FB9]  }
0x3d: {  	_ =	shalt  }
0x3e: {  	_ =	shalt  }
0x3f: {  	_ =	shalt  }
0x40: {  	_ =	shalt  }
0x41: {  	_ =	shalt  }
0x42: {  	_ =	shalt  }
0x43: {  	_ =	shalt  }
0x44: {  	_ =	shalt  }
0x45: {  	_ =	shalt  }
0x46: {  	_ =	shalt  }
0x47: {  	_ =	shalt  }
0x48: {  	_ =	shalt  }
0x49: {  	_ =	shalt  }
0x4a: {  	_ =	shalt  }
0x4b: {  	_ =	shalt  }
0x4c: {  	_ =	shalt  }
0x4d: {  	_ =	shalt  }
0x4e: {  	_ =	shalt  }
0x4f: {  	_ =	shalt  }
0x50: {  	_ =	shalt  }
0x51: {  	_ =	shalt  }
0x52: {  	_ =	shalt  }
0x53: {  	_ =	shalt  }
0x54: {  	_ =	shalt  }
0x55: {  	_ =	shalt  }
0x56: {  	_ =	shalt  }
0x57: {  	_ =	shalt  }
0x58: {  	_ =	shalt  }
0x59: {  	_ =	shalt  }
0x5a: {  	_ =	shalt  }
0x5b: {  	_ =	shalt  }
0x5c: {  	_ =	shalt  }
0x5d: {  	_ =	shalt  }
0x5e: {  	_ =	shalt  }
0x5f: {  	_ =	shalt  }
0x60: {  	_ =	shalt  }
0x61: {  	_ =	shalt  }
0x62: {  	_ =	shalt  }
0x63: {  	_ =	shalt  }
0x64: {  	_ =	shalt  }
0x65: {  	_ =	shalt  }
0x66: {  	_ =	shalt  }
0x67: {  	_ =	shalt  }
0x68: {  	_ =	shalt  }
0x69: {  	_ =	shalt  }
0x6a: {  	_ =	shalt  }
0x6b: {  	_ =	shalt  }
0x6c: {  	_ =	shalt  }
0x6d: {  	_ =	shalt  }
0x6e: {  	_ =	shalt  }
0x6f: {  	_ =	shalt  }
0x70: {  	_ =	shalt  }
0x71: {  	_ =	shalt  }
0x72: {  	_ =	shalt  }
0x73: {  	_ =	shalt  }
0x74: {  	_ =	shalt  }
0x75: {  	_ =	shalt  }
0x76: {  	_ =	shalt  }
0x77: {  	_ =	shalt  }
0x78: {  	_ =	shalt  }
0x79: {  	_ =	shalt  }
0x7a: {  	_ =	shalt  }
0x7b: {  	_ =	shalt  }
0x7c: {  	_ =	shalt  }
0x7d: {  	_ =	shalt  }
0x7e: {  	_ =	shalt  }
0x7f: {  	_ =	shalt  }
0x80: {  	_ =	shalt  }
0x81: {  	_ =	shalt  }
0x82: {  	_ =	shalt  }
0x83: {  	_ =	shalt  }
0x84: {  	_ =	shalt  }
0x85: {  	_ =	shalt  }
0x86: {  	_ =	shalt  }
0x87: {  	_ =	shalt  }
.Lfunc_end0:
.L_simem_size_0:
called_computation_lowered:
.L_overlay_start_0:
0x88: {  	s2 =	sld [smem:$0x3FD9]  }
0x89: {  	s3 =	sld [smem:$0x3FFE];
	_ =	sdelay $0x1  }
0x8a: {  	s1 =	srdreg.scid  }
0x8b: {  	s0 =	sand.u32 $0x1, s1  }
0x8c: {  	s17 =	sshll.u32 s0, $0xA;
	s2 =	sadd.s32 s3, s2  }
0x8d: {  	s2 =	sadd.s32 s2, s17  }
0x8e: {  	[smem:$0x3FC5] =	sst s2  }
0x8f: {  	_ = 	snop  }
0x90: {  	s2 =	sld [smem:$0x3FC9]  }
0x91: {  	s18 =	sld [smem:$0x3FC8]  }
0x92: {  	s4 =	sld [smem:$0x3FD0];
	(tm) =	ssettm $0x1  }
0x93: {  	s5 =	sld [smem:$0x3FFB];
	_ =	sdelay $0x3  }
0x94: {  	_ =	strace s5  }
0x95: {  	s5 =	sld [smem:$0x3FFC];
	_ =	sdelay $0x3  }
0x96: {  	_ =	strace s5  }
0x97: {  	s5 =	sld [smem:$0x3FFD];
	_ =	sdelay $0x3  }
0x98: {  	_ =	strace s5  }
0x99: {  	_ =	strace $0x8FFFFFFF  }
0x9a: {  	s19 =	sld [smem:$0x3FDB];
	_ =	sdelay $0x1  }
0x9b: {  	s6 =	simm.s32 $_scs_section_size  }
0x9c: {  	s7 =	simm.s32 $_size__tile_overlayer_lowered;
	s8 =	simm.s32 $_tile_overlayer_lowered  }
0x9d: {  	s22 =	simm.s32 $0x1BFF;
	s21 =	sshll.u32 s8, $0x1;
	s5 =	sadd.s32 s6, s19  }
0x9e: {  	s9 =	simm.s32 $0x0;
	s20 =	sshll.u32 s7, $0x1;
	s7 =	sadd.s32 s21, s5  }
0x9f: {  	[timem:s9], [sflag:s22] =	dma.local [hbm:s7], s20  }
0xa0: {  	_ =	swait.ge [sflag:s22], s20  }
0xa1: {  	s6 =	ssub.s32 $0x0, s20;
	[sflag:s22] =	ssyncset.done $0x0  }
0xa2: {  	[sflag:s22] =	ssyncadd.s32 s6;
	_ =	sdelay $0x1  }
0xa3: {  	s23 =	simm.s32 $0x1B8B  }
0xa4: {  	_ =	swait.ge [sflag:s23], $0x1  }
0xa5: {  	[sflag:s23] =	ssyncset.done $0x0  }
0xa6: {  	s25 =	simm.s32 $0x1B8E;
	s24 =	sld [smem:$0x3FFE];
	[sflag:s23] =	ssyncadd.s32 $0xFFFFFFFF  }
0xa7: {  	s26 =	simm.s32 $execute0_lowered;
	[smem:$0x3FD2] =	sst s25  }
0xa8: {  	s7 =	sshll.u32 s26, $0x1;
	_ =	strace $0x80000046;
	[dreg:$0x1] =	wrdreg $0xFFFFFFFF  }
0xa9: {  	s28 =	simm.s32 $_size_execute0_lowered;
	s5 =	sadd.s32 s5, s7;
	[dreg:$0x0] =	wrdreg $0x0  }
0xaa: {  	s7 =	sshll.u32 s28, $0x1;
	[dreg:$0x2] =	wrdreg s5  }
0xab: {  	[dreg:$0x3] =	wrdreg s7  }
0xac: {  	[dreg:$0x4] =	wrdreg $0xC0  }
0xad: {  	_ =	task [dreg:s9], $0x5FFFF  }
0xae: {  	[dreg:$0x1] =	wrdreg $0xFFFFFFFF  }
0xaf: {  	[dreg:$0x0] =	wrdreg $0x60  }
0xb0: {  	[dreg:$0x2] =	wrdreg s18  }
0xb1: {  	[dreg:$0x3] =	wrdreg s24  }
0xb2: {  	[dreg:$0x4] =	wrdreg s2  }
0xb3: {  	[dreg:$0x5] =	wrdreg s4  }
0xb4: {  	[dreg:$0x6] =	wrdreg $0xBF800  }
0xb5: {  	[dreg:$0x7] =	wrdreg $0x9  }
0xb6: {  	_ =	task.clear_ibuf [dreg:s9], $0x8FFFF;
	_ =	strace $0x90000046  }
0xb7: {  	s29 =	simm.s32 $0x9;
	_ =	strace $0x80000048  }
0xb8: {  	_ =	swait.ge [sflag:s29], $0x1  }
0xb9: {  	[sflag:s29] =	ssyncadd.s32 $0xFFFFFFFF  }
0xba: {  	_ =	strace $0x90000048  }
0xbb: {  	_ =	sfence  }
0xbc: {  	s30 =	sld [smem:$0x0];
	_ =	sdelay $0x2  }
0xbd: {  	s31 =	sshll.u32 s1, $0xD;
	s1 =	sshrl.u32 s1, $0x2  }
0xbe: {  	s3 =	sand.u32 $0x4000, s31;
	s1 =	sadd.s32 s1, s30  }
0xbf: {  	s0 =	sor.u32 s3, s0;
	s1 =	sshll.u32 s1, $0x11  }
0xc0: {  	s0 =	sor.u32 s1, s0  }
0xc1: {  	s0 =	sadd.s32 $0x8F2B, s0  }
0xc2: {  	[sflag:s0] =	ssyncadd.remote.s32 $0x1  }
0xc3: {  	_ =	sfence.sel $0xFFFF  }
0xc4: {  	[dreg:$0x0] =	wrdreg $0xFFFFFFFF;
	(pc) =	sbr.abs _section_cstart, $3  }
0xc5: {  	[dreg:$0x1] =	wrdreg $0xFFFFFFFF  }
0xc6: {  	_ =	task.clear_ibuf [dreg:s9], $0x2FFFF;
	_ =	strace $0x9FFFFFFF  }
0xc7: {  	(tm) =	ssettm $0x7FFFFFFF  }
tec
execute0_lowered:
.L_overlay_start_1:
0x0: {  	(tag) =	ssettag $0x1  }
0x1: {  	s5 =	rddreg [dreg:$0x0]  }
0x2: {  	s6 =	rddreg [dreg:$0x1]  }
0x3: {  	s1 =	rddreg [dreg:$0x2]  }
0x4: {  	s7 =	rddreg [dreg:$0x3]  }
0x5: {  	s2 =	rddreg [dreg:$0x4]  }
0x6: {  	s3 =	srdreg.scid;
	s0 =	rddreg [dreg:$0x5];
	s4 =	simm.s32 $0x0  }
0x7: {  	s12 =	simm.s32 $0x2;
	s13 =	simm.s32 $0x50;
	s14 =	simm.s32 $0x6780  }
0x8: {  	s15 =	simm.s32 $0x8F80;
	s16 =	simm.s32 $0x4;
	s17 =	simm.s32 $0x1  }
0x9: {  	s18 =	simm.s32 $0x6580;
	s19 =	simm.s32 $0x3;
	s20 =	simm.s32 $0x0  }
0xa: {  	s8 =	sand.u32 $0x1, s3;
	[smem:$0x7FF] =	sst s4;
	s3 =	stileid.u32  }
0xb: {  	s9 =	sshll.u32 s8, $0x4;
	_ =	strace $0x80000047;
	s11 =	ssub.s32 $0x2, s8  }
0xc: {  	s8 =	smul.u32 $0x27100, s8;
	s31 =	sshll.u32 s3, $0xB;
	s9 =	sor.u32 s3, s9  }
0xd: {  	s30 =	sshrl.u32 s11, $0x1;
	s10 =	sshll.u32 s9, $0xB;
	s9 =	smul.u32 $0x4E2, s9  }
0xe: {  	s7 =	sadd.s32 s7, s8;
	s6 =	sadd.s32 s10, s6;
	s10 =	ssub.s32 s11, s30  }
0xf: {  	s11 =	simm.s32 $0x2780;
	s5 =	sadd.s32 s5, s9;
	s6 =	sadd.s32 $0x400, s6  }
0x10: {  	v0 =	vimm.f32 $0.0e+00;
	s8 =	smax.u32 s10, $0x1;
	s9 =	sadd.s32 s31, s2;
	s10 =	sshll.u32 s3, $0x8  }
.LBB2_1:
0x11: {  	[tilespmem:s4], [sflag:$0x1] =	stream.linear.gather [hbm4b:s5+s4], $0x2710, $0x38;
	[tilespmem:$0x1F800] =	vst v63  }
0x12: {  	s21 =	simm.s32 $0x0;
	s22 =	simm.s32 $0x0  }
0x13: {  	[tilespmem:s11], [sflag:$0x2] =	stream.linear.gather [hbm4b:s6+s4], $0x3E80, $0x38;
	[tilespmem:$0x1F800] =	vst v63  }
.LBB2_2:
0x14: {  	p0 =	sne.s32 s22, $0x1FC0  }
.Ltmp0:
0x15: {  	_ = 	snop;
	(pc) =	sbr.rel @p0 .LBB2_2-.Ltmp0, $4  }
0x16: {  	s23 =	sand.u32 $0x1E00, s22  }
0x17: {  	s24 =	sand.u32 $0x70, s21;
	s23 =	sshrl.u32 s23, $0x2  }
0x18: {  	s23 =	sor.u32 s24, s23  }
0x19: {  	s21 =	sadd.s32 $0x10, s21;
	s22 =	sadd.s32 $0x40, s22;
	[tilespmem:s23+$0xB780] =	vst v0  }
0x1a: {  	s21 =	sadd.s32 $0x0, s3  }
0x1b: {  	p0 =	sgt.u32 s21, $0x270  }
0x1c: {  	s21 =	simm.s32 @!p0 $0xB780;
	s24 =	simm.s32 @!p0 $0x5  }
0x1d: {  	[spmem:s9] =	stream.linear.scatter @!p0 [tilespmem:s21], [sflag:$0x5], $0x800, $0x38;
	[tilespmem:$0x1F800] =	vst v63  }
0x1e: {  	s22 =	simm.s32 $0x10;
	_ =	swait.ge @!p0 [sflag:s24], $0x800  }
0x1f: {  	s23 =	simm.s32 $0x20;
	s21 =	sadd.s32 $0x8000, s9;
	[sflag:s24] =	ssyncset.done @!p0 $0x0  }
.LBB2_4:
0x20: {  	s25 =	sadd.s32 s22, s3;
	s22 =	smov.u32 s23;
	s23 =	sadd.s32 $0x10, s23  }
0x21: {  	[sflag:s24] =	ssyncadd.s32 @!p0 $0xFFFFF800;
	p1 =	sne.s32 s23, $0x280  }
.Ltmp1:
0x22: {  	p0 =	sgt.u32 s25, $0x270;
	(pc) =	sbr.rel @p1 .LBB2_4-.Ltmp1, $4  }
0x23: {  	s25 =	simm.s32 @!p0 $0xB780;
	s24 =	simm.s32 @!p0 $0x5  }
0x24: {  	[spmem:s21] =	stream.linear.scatter @!p0 [tilespmem:s25], [sflag:$0x5], $0x800, $0x38;
	[tilespmem:$0x1F800] =	vst v63  }
0x25: {  	_ =	swait.ge @!p0 [sflag:s24], $0x800  }
0x26: {  	s21 =	sadd.s32 $0x8000, s21;
	[sflag:s24] =	ssyncset.done @!p0 $0x0  }
0x27: {  	s22 =	sadd.s32 s22, s3  }
0x28: {  	p1 =	sgt.u32 s22, $0x270  }
0x29: {  	[sflag:s24] =	ssyncadd.s32 @!p0 $0xFFFFF800;
	s22 =	simm.s32 @!p1 $0xB780;
	s23 =	simm.s32 @!p1 $0x5  }
0x2a: {  	[spmem:s21] =	stream.linear.scatter @!p1 [tilespmem:s22], [sflag:$0x5], $0x800, $0x38;
	[tilespmem:$0x1F800] =	vst v63  }
0x2b: {  	_ =	swait.ge @!p1 [sflag:s23], $0x800  }
0x2c: {  	[sflag:s23] =	ssyncset.done @!p1 $0x0  }
0x2d: {  	s31 =	simm.s32 $0x1;
	[sflag:s23] =	ssyncadd.s32 @!p1 $0xFFFFF800  }
0x2e: {  	_ =	swait.ge [sflag:s31], $0x2710  }
0x2f: {  	[sflag:s31] =	ssyncset.done $0x0  }
0x30: {  	[sflag:s31] =	ssyncadd.s32 $0xFFFFD8F0  }
0x31: {  	_ =	swait.ge [sflag:s12], $0x3E80  }
0x32: {  	[sflag:s12] =	ssyncset.done $0x0  }
0x33: {  	[sflag:s12] =	ssyncadd.s32 $0xFFFFC180  }
0x34: {  	[bflag:$0x0] =	sbarrier.arrive $0xFFFF  }
0x35: {  	[tilespmem:s14], [sflag:$0x1] =	stream.indirect.gather [hbm4b:s1+s13], $0x80, s4, s13, $0xb8;
	[tilespmem:$0x1F800] =	vst v63  }
0x36: {  	_ = 	snop  }
0x37: {  	[tilespmem:s15], [sflag:$0x2] =	stream.indirect.gather [hbm4b:s1+s13], $0x80, s13, s13, $0xb8;
	[tilespmem:$0x1F800] =	vst v63  }
0x38: {  	s21 =	sand.u32 $0x1, s31;
	_ =	swait.ge [sflag:s31], $0x2800  }
0x39: {  	p0 =	seq.s32 s21, $0x1;
	[sflag:s31] =	ssyncset.done $0x0  }
0x3a: {  	s21 =	simm.s32 @p0 $0x3;
	[sflag:s31] =	ssyncadd.s32 $0xFFFFD800  }
0x3b: {  	[spmem:s2] =	stream.indirect.scatter.add.f32 [tilespmem:s14], [sflag:$0x3], $0x80, s11, s13, $0xb8;
	[tilespmem:$0x1F800] =	vst v63  }
0x3c: {  	s22 =	simm.s32 $0xA0;
	_ =	swait.ge @p0 [sflag:s21], $0x2800  }
0x3d: {  	s24 =	simm.s32 @p0 $0x2;
	[sflag:s21] =	ssyncset.done @p0 $0x0;
	p0 =	por p0, p0  }
0x3e: {  	[sflag:s21] =	ssyncadd.s32 @p0 $0xFFFFD800;
	s21 =	simm.s32 @p0 $0x50;
	s23 =	simm.s32 @p0 $0x6780  }
0x3f: {  	[tilespmem:s23], [sflag:$0x1] =	stream.indirect.gather @p0 [hbm4b:s1+s21], $0x80, s22, s21, $0xb8;
	[tilespmem:$0x1F800] =	vst v63  }
0x40: {  	_ =	swait.ge @p0 [sflag:s24], $0x2800  }
0x41: {  	s28 =	simm.s32 $0x2;
	s26 =	simm.s32 @!p0 $0x4;
	[sflag:s24] =	ssyncset.done @p0 $0x0  }
0x42: {  	s23 =	simm.s32 $0x2800;
	[sflag:s24] =	ssyncadd.s32 @p0 $0xFFFFD800;
	s24 =	simm.s32 @p0 $0x8F80  }
0x43: {  	[spmem:s2] =	stream.indirect.scatter.add.f32 @p0 [tilespmem:s24], [sflag:$0x4], $0x80, s23, s21, $0xb8;
	[tilespmem:$0x1F800] =	vst v63  }
0x44: {  	s28 =	sand.u32 $0x1, s28;
	_ =	swait.ge @!p0 [sflag:s26], $0x2800  }
0x45: {  	p2 =	seq.s32 s28, $0x1;
	s25 =	simm.s32 @!p0 $0x1;
	[sflag:s26] =	ssyncset.done @!p0 $0x0  }
0x46: {  	s29 =	simm.s32 @!p0 $0x8F80;
	[sflag:s26] =	ssyncadd.s32 @!p0 $0xFFFFD800;
	s26 =	simm.s32 @!p0 $0x50  }
0x47: {  	[tilespmem:s29], [sflag:$0x2] =	stream.indirect.gather @!p0 [hbm4b:s1+s26], $0x80, s22, s26, $0xb8;
	[tilespmem:$0x1F800] =	vst v63  }
0x48: {  	s28 =	simm.s32 @!p0 $0x6780;
	s24 =	simm.s32 $0x3;
	_ =	swait.ge @!p0 [sflag:s25], $0x2800  }
0x49: {  	s21 =	simm.s32 $0x2880;
	s22 =	simm.s32 $0xF0;
	[sflag:s25] =	ssyncset.done @!p0 $0x0  }
.LBB2_6:
0x4a: {  	s29 =	simm.s32 @p2 $0x3  }
0x4b: {  	[sflag:s25] =	ssyncadd.s32 @!p0 $0xFFFFD800;
	s30 =	smov.u32 s24;
	s24 =	sadd.s32 $0x1, s24  }
0x4c: {  	[spmem:s2] =	stream.indirect.scatter.add.f32 @!p0 [tilespmem:s28], [sflag:$0x3], $0x80, s23, s26, $0xb8;
	[tilespmem:$0x1F800] =	vst v63  }
0x4d: {  	p1 =	sne.s32 s24, $0x7C;
	s23 =	smov.u32 s21;
	_ =	swait.ge @p2 [sflag:s29], $0x2800  }
0x4e: {  	s25 =	simm.s32 @p2 $0x2;
	p0 =	por p2, p2;
	[sflag:s29] =	ssyncset.done @p2 $0x0  }
0x4f: {  	s26 =	simm.s32 @p0 $0x50;
	s28 =	simm.s32 @p0 $0x6780;
	[sflag:s29] =	ssyncadd.s32 @p0 $0xFFFFD800  }
0x50: {  	[tilespmem:s28], [sflag:$0x1] =	stream.indirect.gather @p0 [hbm4b:s1+s26], $0x80, s22, s26, $0xb8;
	[tilespmem:$0x1F800] =	vst v63  }
0x51: {  	_ =	swait.ge @p0 [sflag:s25], $0x2800  }
0x52: {  	[sflag:s25] =	ssyncset.done @p0 $0x0  }
0x53: {  	s28 =	simm.s32 @!p0 $0x4;
	[sflag:s25] =	ssyncadd.s32 @p0 $0xFFFFD800;
	s25 =	simm.s32 @p0 $0x8F80  }
0x54: {  	[spmem:s2] =	stream.indirect.scatter.add.f32 @p0 [tilespmem:s25], [sflag:$0x4], $0x80, s21, s26, $0xb8;
	[tilespmem:$0x1F800] =	vst v63  }
0x55: {  	s21 =	sadd.s32 $0x80, s21;
	_ =	swait.ge @!p0 [sflag:s28], $0x2800  }
.Ltmp2:
0x56: {  	s25 =	simm.s32 @!p0 $0x1;
	[sflag:s28] =	ssyncset.done @!p0 $0x0;
	(pc) =	sbr.rel @p1 .LBB2_6-.Ltmp2, $4  }
0x57: {  	s26 =	simm.s32 @!p0 $0x50;
	[sflag:s28] =	ssyncadd.s32 @!p0 $0xFFFFD800;
	s28 =	simm.s32 @!p0 $0x8F80  }
0x58: {  	[tilespmem:s28], [sflag:$0x2] =	stream.indirect.gather @!p0 [hbm4b:s1+s26], $0x80, s22, s26, $0xb8;
	[tilespmem:$0x1F800] =	vst v63  }
0x59: {  	s28 =	sand.u32 $0x1, s30;
	s22 =	sadd.s32 $0x50, s22;
	_ =	swait.ge @!p0 [sflag:s25], $0x2800  }
0x5a: {  	p2 =	seq.s32 s28, $0x1;
	s28 =	simm.s32 @!p0 $0x6780;
	[sflag:s25] =	ssyncset.done @!p0 $0x0  }
0x5b: {  	s24 =	simm.s32 @p2 $0x3;
	[sflag:s25] =	ssyncadd.s32 @!p0 $0xFFFFD800  }
0x5c: {  	[spmem:s2] =	stream.indirect.scatter.add.f32 @!p0 [tilespmem:s28], [sflag:$0x3], $0x80, s23, s26, $0xb8;
	[tilespmem:$0x1F800] =	vst v63  }
0x5d: {  	_ =	swait.ge @p2 [sflag:s24], $0x2800  }
0x5e: {  	s23 =	simm.s32 @p2 $0x2;
	p0 =	por p2, p2;
	[sflag:s24] =	ssyncset.done @p2 $0x0  }
0x5f: {  	s25 =	simm.s32 @p0 $0x6780;
	[sflag:s24] =	ssyncadd.s32 @p0 $0xFFFFD800;
	s24 =	simm.s32 @p0 $0x50  }
0x60: {  	[tilespmem:s25], [sflag:$0x1] =	stream.indirect.gather @p0 [hbm4b:s1+s24], $0x80, s22, s24, $0xb8;
	[tilespmem:$0x1F800] =	vst v63  }
0x61: {  	_ =	swait.ge @p0 [sflag:s23], $0x2800  }
0x62: {  	[sflag:s23] =	ssyncset.done @p0 $0x0  }
0x63: {  	s25 =	simm.s32 @!p0 $0x4;
	[sflag:s23] =	ssyncadd.s32 @p0 $0xFFFFD800;
	s23 =	simm.s32 @p0 $0x8F80  }
0x64: {  	[spmem:s2] =	stream.indirect.scatter.add.f32 @p0 [tilespmem:s23], [sflag:$0x4], $0x80, s21, s24, $0xb8;
	[tilespmem:$0x1F800] =	vst v63  }
0x65: {  	_ =	swait.ge @!p0 [sflag:s25], $0x2800  }
0x66: {  	s23 =	simm.s32 @!p0 $0x1;
	[sflag:s25] =	ssyncset.done @!p0 $0x0  }
0x67: {  	s24 =	simm.s32 @!p0 $0x50;
	[sflag:s25] =	ssyncadd.s32 @!p0 $0xFFFFD800;
	s25 =	simm.s32 @!p0 $0x8F80  }
0x68: {  	[tilespmem:s25], [sflag:$0x2] =	stream.indirect.gather @!p0 [hbm4b:s1+s24], $0x80, s22, s24, $0xb8;
	[tilespmem:$0x1F800] =	vst v63  }
0x69: {  	_ =	swait.ge @!p0 [sflag:s23], $0x2800  }
0x6a: {  	[sflag:s23] =	ssyncset.done @!p0 $0x0  }
0x6b: {  	s22 =	simm.s32 @!p0 $0x6780;
	[sflag:s23] =	ssyncadd.s32 @!p0 $0xFFFFD800  }
0x6c: {  	[spmem:s2] =	stream.indirect.scatter.add.f32 @!p0 [tilespmem:s22], [sflag:$0x3], $0x80, s21, s24, $0xb8;
	[tilespmem:$0x1F800] =	vst v63  }
0x6d: {  	_ =	swait.ge [sflag:s16], $0x2800  }
0x6e: {  	[sflag:s16] =	ssyncset.done $0x0  }
0x6f: {  	[sflag:s16] =	ssyncadd.s32 $0xFFFFD800  }
0x70: {  	_ =	swait.ge [sflag:s17], $0x2800  }
0x71: {  	[sflag:s17] =	ssyncset.done $0x0  }
0x72: {  	s31 =	sadd.s32 $0x0, s3;
	[sflag:s17] =	ssyncadd.s32 $0xFFFFD800  }
0x73: {  	[spmem:s2] =	stream.indirect.scatter.add.f32 [tilespmem:s14], [sflag:$0x3], $0x80, s18, s13, $0xb8;
	[tilespmem:$0x1F800] =	vst v63  }
0x74: {  	p0 =	sgt.u32 s31, $0x270;
	_ =	swait.ge [sflag:s19], $0x2800  }
0x75: {  	s21 =	sshll.u32 @!p0 s3, $0x6;
	[sflag:s19] =	ssyncset.done $0x0  }
0x76: {  	s23 =	simm.s32 @!p0 $0x5;
	s22 =	sadd.s32 @!p0 s10, s7;
	[sflag:s19] =	ssyncadd.s32 $0xFFFFD800  }
0x77: {  	s24 =	sshrl.u32 @!p0 s9, $0x3;
	s21 =	sor.u32 @!p0 $0x1C05, s21;
	[bflag:$0x0] =	sbarrier.arrive $0xFFFF  }
0x78: {  	[hbm:s22], [sflag:s21] =	dma.local @!p0 [spmem:s24], $0x100  }
0x79: {  	s25 =	sadd.s32 $0x10, s3;
	s24 =	simm.s32 $0x20;
	_ =	swait.ge @!p0 [sflag:s23], $0x100  }
0x7a: {  	s21 =	sadd.s32 $0x1000, s10;
	s22 =	sadd.s32 $0x8000, s9;
	[sflag:s23] =	ssyncset.done @!p0 $0x0  }
.LBB2_8:
0x7b: {  	[sflag:s23] =	ssyncadd.s32 @!p0 $0xFFFFFF00  }
0x7c: {  	p0 =	sgt.u32 s25, $0x270;
	s25 =	smov.u32 s24;
	s24 =	sadd.s32 $0x10, s24  }
0x7d: {  	p1 =	sne.s32 s24, $0x280  }
.Ltmp3:
0x7e: {  	s26 =	sshll.u32 @!p0 s3, $0x6;
	s23 =	simm.s32 @!p0 $0x5;
	(pc) =	sbr.rel @p1 .LBB2_8-.Ltmp3, $4  }
0x7f: {  	s28 =	sadd.s32 @!p0 s21, s7;
	s29 =	sshrl.u32 @!p0 s22, $0x3;
	s26 =	sor.u32 @!p0 $0x1C05, s26  }
0x80: {  	[hbm:s28], [sflag:s26] =	dma.local @!p0 [spmem:s29], $0x100  }
0x81: {  	s21 =	sadd.s32 $0x1000, s21;
	_ =	swait.ge @!p0 [sflag:s23], $0x100  }
0x82: {  	s25 =	sadd.s32 s25, s3;
	s22 =	sadd.s32 $0x8000, s22;
	[sflag:s23] =	ssyncset.done @!p0 $0x0  }
0x83: {  	p1 =	sgt.u32 s25, $0x270  }
0x84: {  	[sflag:s23] =	ssyncadd.s32 @!p0 $0xFFFFFF00;
	s20 =	sadd.s32 $0x1, s20;
	s23 =	sshll.u32 @!p1 s3, $0x6  }
0x85: {  	s24 =	simm.s32 @!p1 $0x5;
	s21 =	sadd.s32 @!p1 s21, s7;
	p0 =	sne.s32 s20, s8  }
.Ltmp4:
0x86: {  	s22 =	sshrl.u32 @!p1 s22, $0x3;
	s23 =	sor.u32 @!p1 $0x1C05, s23;
	(pc) =	sbr.rel @p0 .LBB2_1-.Ltmp4, $4  }
0x87: {  	[hbm:s21], [sflag:s23] =	dma.local @!p1 [spmem:s22], $0x100  }
0x88: {  	_ =	swait.ge @!p1 [sflag:s24], $0x100  }
0x89: {  	[sflag:s24] =	ssyncset.done @!p1 $0x0  }
0x8a: {  	[sflag:s24] =	ssyncadd.s32 @!p1 $0xFFFFFF00  }
0x8b: {  	_ =	sfence.sel $0x180000  }
0x8c: {  	[bflag:$0x0] =	sbarrier.arrive $0xFFFF  }
0x8d: {  	p0 =	sne.s32 s3, $0x0;
	_ =	strace $0x90000047  }
0x8e: {  	s0 =	sadd.s32 @!p0 $0x100000, s0;
	[bflag:$0x2] =	sbarrier.arrive $0xFFFF  }
0x8f: {  	[sflag:s0] =	ssyncadd.tile.s32 @!p0 $0x1;
	_ =	shalt  }
.Lfunc_end2:
_tile_overlayer_lowered:
.L_overlay_start_2:
0x90: {  	(tag) =	ssettag $0x2  }
0x91: {  	s0 =	rddreg [dreg:$0x0];
	s2 =	stileid.u32  }
0x92: {  	s1 =	rddreg [dreg:$0x1];
	p0 =	sne.s32 s2, $0x0  }
0x93: {  	s3 =	rddreg [dreg:$0x2];
	[bflag:$0x3] =	sbarrier.arrive $0xFFFF;
	s2 =	simm.s32 @!p0 $0x1C05  }
0x94: {  	[timem:s3], [sflag:s2] =	dma.local @!p0 [hbm:s0], s1  }
0x95: {  	s0 =	simm.s32 @!p0 $0x5  }
0x96: {  	_ =	swait.ge @!p0 [sflag:s0], s1  }
0x97: {  	s1 =	ssub.s32 @!p0 $0x0, s1;
	[sflag:s0] =	ssyncset.done @!p0 $0x0  }
0x98: {  	[sflag:s0] =	ssyncadd.s32 @!p0 s1  }
0x99: {  	[bflag:$0x3] =	sbarrier.arrive $0xFFFF  }
0x9a: {  	_ =	shalt  }

</sc_bundles>
